<compile_context>
chip_gen: v7x
topology: tpu7x:2x2x1
jax: 0.10.2.dev20260603
libtpu: 0.0.44.dev20260713+nightly
codegen_flags: <defaults>
</compile_context>

<pallas_src>
import functools

import jax
import jax.numpy as jnp
from jax import lax
from jax.experimental import pallas as pl
from jax.experimental.pallas import tpu as pltpu
from jax.experimental.pallas import tpu_sc as plsc

_SRC_X = 2048
_SRC_Y = 2048
_ROWS = 4096
_COLS = 4096
_N = _ROWS * _COLS

_NC = 2
_NS = 16
_NW = _NC * _NS
_SLAB = _N // _NW

_POS = _SRC_X * _COLS + _SRC_Y
_OWNER = _POS // _SLAB
_CHUNK = _POS - _POS % 16
_LANE = _POS % 16

_mesh = plsc.VectorSubcoreMesh(core_axis_name="c", subcore_axis_name="s")


@functools.partial(
    pl.kernel,
    out_type=jax.ShapeDtypeStruct((_N,), jnp.float32),
    mesh=_mesh,
    scratch_types=[
        pltpu.VMEM((16,), jnp.float32),
        pltpu.VMEM((16,), jnp.float32),
    ],
)
def _scatter_copy(b_hbm, bt_hbm, out_hbm, chunk_v, bt_v):
    wid = lax.axis_index("s") * _NC + lax.axis_index("c")
    base = wid * _SLAB
    pltpu.sync_copy(b_hbm.at[pl.ds(base, _SLAB)], out_hbm.at[pl.ds(base, _SLAB)])

    @pl.when(wid == _OWNER)
    def _():
        pltpu.sync_copy(b_hbm.at[pl.ds(_CHUNK, 16)], chunk_v)
        pltpu.sync_copy(bt_hbm, bt_v)
        lanes = lax.broadcasted_iota(jnp.int32, (16,), 0)
        chunk_v[...] = jnp.where(lanes == _LANE, bt_v[...], chunk_v[...])
        pltpu.sync_copy(chunk_v, out_hbm.at[pl.ds(_CHUNK, 16)])


def kernel(B, Bt):
    b_flat = B.reshape(_N)
    bt_vec = jnp.broadcast_to(Bt.reshape(()), (16,))
    out = _scatter_copy(b_flat, bt_vec)
    return out.reshape(B.shape)

# --- scband reference (transcript-rebuilt; emitter-appended) ---
"""Pipeline reference for scband-wave-source-30803505446927 (READ-ONLY COPY).

The authoritative reference and input builder live on the scoring server;
editing this copy changes nothing except your own understanding.
"""

import jax, jax.numpy as jnp
import numpy as np

# WaveSource buffers from init_kwargs
SRC_X = 2048
SRC_Y = 2048


def setup_inputs(seed: int = 0) -> dict:
    key = jax.random.key(seed)
    k1, k2 = jax.random.split(key)
    B = jax.random.normal(k1, (1, 4096, 4096), dtype=jnp.float32)
    Bt = jax.random.normal(k2, (1, 1), dtype=jnp.float32)
    return {"B": B, "Bt": Bt}


def reference(B, Bt):
    # Faithful translation of: B[0, self.x, self.y] = Bt[0, 0]; return B
    # In JAX this is a functional scatter-overwrite producing an updated copy of B.
    B_out = B.at[0, SRC_X, SRC_Y].set(Bt[0, 0])
    return B_out

if __name__ == "__main__":
    import jax
    _d = setup_inputs()
    print(jax.jit(kernel)(*tuple(_d.values())))

</pallas_src>

<mosaic_0001>
#map = affine_map<(d0, d1) -> (0)>
module attributes {stable_mosaic.version = 14 : i64} {
  func.func @_scatter_copy(%arg0: i32, %arg1: i32, %arg2: memref<16777216xf32, #tpu.memory_space<hbm>>, %arg3: memref<16xf32, #tpu.memory_space<hbm>>, %arg4: memref<16777216xf32, #tpu.memory_space<hbm>>, %arg5: memref<16xf32, #tpu.memory_space<vmem>>, %arg6: memref<16xf32, #tpu.memory_space<vmem>>) attributes {dimension_semantics = [#tpu.dimension_semantics<core_parallel>, #tpu.dimension_semantics<subcore_parallel>], iteration_bounds = array<i64: 2, 16>, scalar_prefetch = 0 : i64, scratch_operands = 2 : i64, tpu.core_type = #tpu.core_type<sc_vector_subcore>, window_params = [{transform_indices = #map}, {transform_indices = #map}, {transform_indices = #map}]} {
    %mul3A = arith.constant 2 : i32
    %mul3A_0 = arith.muli %arg1, %mul3A : i32
    %add3A = arith.addi %mul3A_0, %arg0 : i32
    %mul3A_1 = arith.constant 524288 : i32
    %mul3A_2 = arith.muli %add3A, %mul3A_1 : i32
    "tpu.region"() ({
      %run_scoped3A = tpu.sem_alloc : memref<!tpu.dma_semaphore, #tpu.memory_space<semaphore_mem>>
      %dma_start3A = tpu.memref_slice %arg4[%mul3A_2] : memref<16777216xf32, #tpu.memory_space<hbm>> -> memref<524288xf32, #tpu.memory_space<hbm>>
      %dma_start3A_5 = tpu.memref_slice %arg2[%mul3A_2] : memref<16777216xf32, #tpu.memory_space<hbm>> -> memref<524288xf32, #tpu.memory_space<hbm>>
      tpu.enqueue_dma source(%dma_start3A_5 : memref<524288xf32, #tpu.memory_space<hbm>>) target(%dma_start3A : memref<524288xf32, #tpu.memory_space<hbm>>) target_semaphore(%run_scoped3A : memref<!tpu.dma_semaphore, #tpu.memory_space<semaphore_mem>>)
      %dma_wait3A = tpu.memref_slice %arg4[%mul3A_2] : memref<16777216xf32, #tpu.memory_space<hbm>> -> memref<524288xf32, #tpu.memory_space<hbm>>
      %dma_wait3A_6 = tpu.memref_slice %arg2[%mul3A_2] : memref<16777216xf32, #tpu.memory_space<hbm>> -> memref<524288xf32, #tpu.memory_space<hbm>>
      tpu.wait_dma2 semaphore(%run_scoped3A : memref<!tpu.dma_semaphore, #tpu.memory_space<semaphore_mem>>) src(%dma_wait3A_6 : memref<524288xf32, #tpu.memory_space<hbm>>) dst(%dma_wait3A : memref<524288xf32, #tpu.memory_space<hbm>>)
      tpu.yield
    }) : () -> ()
    %eq3A = arith.constant 16 : i32
    %eq3A_3 = arith.cmpi eq, %add3A, %eq3A : i32
    %convert_element_type3A = arith.extui %eq3A_3 : i1 to i32
    %cond3A = arith.constant 0 : i32
    %cond3A_4 = arith.cmpi ne, %convert_element_type3A, %cond3A : i32
    scf.if %cond3A_4 {
      "tpu.region"() ({
        %run_scoped3A = tpu.sem_alloc : memref<!tpu.dma_semaphore, #tpu.memory_space<semaphore_mem>>
        %dma_start3A = arith.constant 8390656 : i32
        %dma_start3A_16 = tpu.memref_slice %arg2[%dma_start3A] : memref<16777216xf32, #tpu.memory_space<hbm>> -> memref<16xf32, #tpu.memory_space<hbm>>
        %dma_start3A_17 = arith.constant 8390656 : i32
        %dma_start3A_18 = tpu.memref_slice %arg2[%dma_start3A_17] : memref<16777216xf32, #tpu.memory_space<hbm>> -> memref<16xf32, #tpu.memory_space<hbm>>
        tpu.enqueue_dma source(%dma_start3A_18 : memref<16xf32, #tpu.memory_space<hbm>>) target(%arg5 : memref<16xf32, #tpu.memory_space<vmem>>) target_semaphore(%run_scoped3A : memref<!tpu.dma_semaphore, #tpu.memory_space<semaphore_mem>>)
        %dma_wait3A = arith.constant 8390656 : i32
        %dma_wait3A_19 = tpu.memref_slice %arg2[%dma_wait3A] : memref<16777216xf32, #tpu.memory_space<hbm>> -> memref<16xf32, #tpu.memory_space<hbm>>
        %dma_wait3A_20 = arith.constant 8390656 : i32
        %dma_wait3A_21 = tpu.memref_slice %arg2[%dma_wait3A_20] : memref<16777216xf32, #tpu.memory_space<hbm>> -> memref<16xf32, #tpu.memory_space<hbm>>
        tpu.wait_dma2 semaphore(%run_scoped3A : memref<!tpu.dma_semaphore, #tpu.memory_space<semaphore_mem>>) src(%dma_wait3A_21 : memref<16xf32, #tpu.memory_space<hbm>>) dst(%arg5 : memref<16xf32, #tpu.memory_space<vmem>>)
        tpu.yield
      }) : () -> ()
      "tpu.region"() ({
        %run_scoped3A = tpu.sem_alloc : memref<!tpu.dma_semaphore, #tpu.memory_space<semaphore_mem>>
        tpu.enqueue_dma source(%arg3 : memref<16xf32, #tpu.memory_space<hbm>>) target(%arg6 : memref<16xf32, #tpu.memory_space<vmem>>) target_semaphore(%run_scoped3A : memref<!tpu.dma_semaphore, #tpu.memory_space<semaphore_mem>>)
        tpu.wait_dma2 semaphore(%run_scoped3A : memref<!tpu.dma_semaphore, #tpu.memory_space<semaphore_mem>>) src(%arg3 : memref<16xf32, #tpu.memory_space<hbm>>) dst(%arg6 : memref<16xf32, #tpu.memory_space<vmem>>)
        tpu.yield
      }) : () -> ()
      %iota3A = tpu.iota {dimensions = array<i32: 0>} : vector<16xi32>
      %eq3A_5 = arith.constant 0 : i32
      %eq3A_6 = vector.broadcast %eq3A_5 : i32 to vector<16xi32>
      %eq3A_7 = arith.cmpi eq, %iota3A, %eq3A_6 : vector<16xi32>
      %get3A = arith.constant 0 : index
      %get3A_8 = tpu.vector_load %arg6[%get3A] {strides = array<i32>} : memref<16xf32, #tpu.memory_space<vmem>>, vector<16xf32>,
      %get3A_9 = vector.shape_cast %get3A_8 : vector<16xf32> to vector<16xf32>
      %get3A_10 = arith.constant 0 : index
      %get3A_11 = tpu.vector_load %arg5[%get3A_10] {strides = array<i32>} : memref<16xf32, #tpu.memory_space<vmem>>, vector<16xf32>,
      %get3A_12 = vector.shape_cast %get3A_11 : vector<16xf32> to vector<16xf32>
      %select_n3A = arith.select %eq3A_7, %get3A_9, %get3A_12 : vector<16xi1>, vector<16xf32>
      %swap3A = arith.constant 0 : index
      %swap3A_13 = tpu.vector_load %arg5[%swap3A] {strides = array<i32>} : memref<16xf32, #tpu.memory_space<vmem>>, vector<16xf32>,
      %swap3A_14 = vector.shape_cast %swap3A_13 : vector<16xf32> to vector<16xf32>
      %swap3A_15 = vector.shape_cast %select_n3A : vector<16xf32> to vector<16xf32>
      tpu.vector_store %arg5[%swap3A], %swap3A_15 {strides = array<i32>} : memref<16xf32, #tpu.memory_space<vmem>>, vector<16xf32>,
      "tpu.region"() ({
        %run_scoped3A = tpu.sem_alloc : memref<!tpu.dma_semaphore, #tpu.memory_space<semaphore_mem>>
        %dma_start3A = arith.constant 8390656 : i32
        %dma_start3A_16 = tpu.memref_slice %arg4[%dma_start3A] : memref<16777216xf32, #tpu.memory_space<hbm>> -> memref<16xf32, #tpu.memory_space<hbm>>
        %dma_start3A_17 = arith.constant 8390656 : i32
        %dma_start3A_18 = tpu.memref_slice %arg4[%dma_start3A_17] : memref<16777216xf32, #tpu.memory_space<hbm>> -> memref<16xf32, #tpu.memory_space<hbm>>
        tpu.enqueue_dma source(%arg5 : memref<16xf32, #tpu.memory_space<vmem>>) target(%dma_start3A_18 : memref<16xf32, #tpu.memory_space<hbm>>) target_semaphore(%run_scoped3A : memref<!tpu.dma_semaphore, #tpu.memory_space<semaphore_mem>>)
        %dma_wait3A = arith.constant 8390656 : i32
        %dma_wait3A_19 = tpu.memref_slice %arg4[%dma_wait3A] : memref<16777216xf32, #tpu.memory_space<hbm>> -> memref<16xf32, #tpu.memory_space<hbm>>
        %dma_wait3A_20 = arith.constant 8390656 : i32
        %dma_wait3A_21 = tpu.memref_slice %arg4[%dma_wait3A_20] : memref<16777216xf32, #tpu.memory_space<hbm>> -> memref<16xf32, #tpu.memory_space<hbm>>
        tpu.wait_dma2 semaphore(%run_scoped3A : memref<!tpu.dma_semaphore, #tpu.memory_space<semaphore_mem>>) src(%arg5 : memref<16xf32, #tpu.memory_space<vmem>>) dst(%dma_wait3A_21 : memref<16xf32, #tpu.memory_space<hbm>>)
        tpu.yield
      }) : () -> ()
    } else {
    }
    return
  }
}

</mosaic_0001>

<sc_bundles>
// kernel: kernel.3.cloned.1.call-start
scs
__scs_entry_jumppad:
0x0: {  	(pc) =	sbr.rel $0x88, $3  }
0x1: {  	(tag) =	ssettag $0x0;
	lr =	simm.s32 $0x1  }
0x2: {  	[smem:$0x3F9F] =	sst lr;
	_ =	strace $0xD0000000  }
0x3: {  	_ = 	snop  }
0x4: {  	_ = 	snop  }
0x5: {  	_ = 	snop  }
0x6: {  	_ = 	snop  }
0x7: {  	_ = 	snop  }
__scs_overlays_trampoline_lowered:
0x8: {  	[smem:$0x3FAE] =	sst s0  }
0x9: {  	[smem:$0x3FAF] =	sst s1  }
0xa: {  	[smem:$0x3FB0] =	sst s2  }
0xb: {  	[smem:$0x3FB1] =	sst s3  }
0xc: {  	[smem:$0x3FB2] =	sst s4  }
0xd: {  	[smem:$0x3FB3] =	sst s5  }
0xe: {  	[smem:$0x3FB4] =	sst s6  }
0xf: {  	[smem:$0x3FB5] =	sst s7  }
0x10: {  	[smem:$0x3FB6] =	sst s8  }
0x11: {  	[smem:$0x3FB7] =	sst s9;
	s0 =	simm.s32 @!p0 $0x0  }
0x12: {  	s1 =	sld [smem:$0x3F9D];
	s0 =	simm.s32 @p0 $0x1  }
0x13: {  	[smem:$0x3FB8] =	sst s0;
	s0 =	simm.s32 @!p1 $0x0  }
0x14: {  	s2 =	sld [smem:$0x3F9C];
	s0 =	simm.s32 @p1 $0x1  }
0x15: {  	[smem:$0x3FB9] =	sst s0;
	s0 =	simm.s32 @!p2 $0x0  }
0x16: {  	s3 =	sld [smem:$0x3FDB];
	s0 =	simm.s32 @p2 $0x1  }
0x17: {  	s4 =	simm.s32 $0x1BF5;
	[smem:$0x3FBB] =	sst s0  }
0x18: {  	s0 =	sld [smem:$0x3F9E];
	_ =	swait.ge [sflag:s4], $0x0  }
0x19: {  	s7 =	sld [smem:$0x3F9F]  }
0x1a: {  	s8 =	sadd.s32 $0xFFFFE003, lr  }
0x1b: {  	s9 =	sadd.s32 $0xFFFFFEF7, lr;
	s5 =	simm.s32 $0xFFFFFFFF;
	p2 =	slt.u32 s8, $0xFFFFF086  }
0x1c: {  	p1 =	slt.u32 s9, $0xF7A;
	s5 =	simm.s32 @!p2 $0x0  }
0x1d: {  	s5 =	simm.s32 @p1 $0x1;
	p0 =	seq.s32 s7, s2  }
0x1e: {  	s7 =	smul.u32 @!p0 $0xF7A, s2;
	p2 =	seq.s32 @!p0 s5, $0x0  }
0x1f: {  	s9 =	smul.u32 $0xF7A, s1;
	s8 =	simm.s32 @!p0 $0x1BF5;
	p2 =	por !p2, p0  }
0x20: {  	[sflag:s8] =	ssyncset.s32 @!p0 $0xFFFFF086;
	s6 =	sadd.s32 @!p0 s3, s7;
	s7 =	simm.s32 @!p0 $0x108  }
0x21: {  	s3 =	sadd.s32 s3, s9;
	s6 =	sadd.s32 @!p0 $0x88, s6;
	s7 =	simm.s32 @p2 $0x1082  }
0x22: {  	[simem:s7], [sflag:s8] =	dma.local @!p0 [hbm:s6], $0xF7A  }
0x23: {  	s9 =	sor.u32 $0xD0000000, s2;
	s6 =	simm.s32 $0x108;
	_ =	swait.ge @!p0 [sflag:s8], $0x0  }
0x24: {  	s3 =	sadd.s32 $0x88, s3;
	s6 =	simm.s32 @!p1 $0x1082;
	[sflag:s4] =	ssyncset.s32 $0xFFFFF086  }
0x25: {  	[simem:s6], [sflag:s4] =	dma.local [hbm:s3], $0xF7A  }
0x26: {  	[smem:$0x3F9F] =	sst s1;
	(tag) =	ssettag s2;
	_ =	strace s9  }
0x27: {  	s1 =	sld [smem:$0x3FAF]  }
0x28: {  	s2 =	sld [smem:$0x3FB0]  }
0x29: {  	s4 =	sld [smem:$0x3FB2]  }
0x2a: {  	p0 =	seq.s32 s5, $0x0;
	s5 =	sld [smem:$0x3FB3]  }
0x2b: {  	s6 =	sld [smem:$0x3FB4]  }
0x2c: {  	s7 =	sld [smem:$0x3FB5]  }
0x2d: {  	s3 =	simm.s32 $0x108;
	s8 =	sld [smem:$0x3FB6]  }
0x2e: {  	s3 =	simm.s32 @!p0 $0x1082;
	s9 =	sld [smem:$0x3FB7]  }
0x2f: {  	lr =	sadd.s32 s0, s3;
	s0 =	sld [smem:$0x3FAE]  }
0x30: {  	s3 =	sld [smem:$0x3FB1]  }
0x31: {  	[smem:$0x3FBA] =	sst s10  }
0x32: {  	s10 =	sld [smem:$0x3FB8];
	_ =	sdelay $0x3  }
0x33: {  	p0 =	seq.s32 s10, $0x1;
	s10 =	sld [smem:$0x3FBA];
	_ =	sdelay $0x3  }
0x34: {  	[smem:$0x3FBA] =	sst s10  }
0x35: {  	s10 =	sld [smem:$0x3FB9];
	_ =	sdelay $0x3  }
0x36: {  	p1 =	seq.s32 s10, $0x1;
	s10 =	sld [smem:$0x3FBA];
	_ =	sdelay $0x3  }
0x37: {  	[smem:$0x3FBA] =	sst s10  }
0x38: {  	s10 =	sld [smem:$0x3FBB]  }
0x39: {  	_ = 	snop;
	(pc) =	sbr.ind lr, $3  }
0x3a: {  	_ = 	snop  }
0x3b: {  	_ = 	snop  }
0x3c: {  	p2 =	seq.s32 s10, $0x1;
	s10 =	sld [smem:$0x3FBA]  }
0x3d: {  	_ =	shalt  }
0x3e: {  	_ =	shalt  }
0x3f: {  	_ =	shalt  }
0x40: {  	_ =	shalt  }
0x41: {  	_ =	shalt  }
0x42: {  	_ =	shalt  }
0x43: {  	_ =	shalt  }
0x44: {  	_ =	shalt  }
0x45: {  	_ =	shalt  }
0x46: {  	_ =	shalt  }
0x47: {  	_ =	shalt  }
0x48: {  	_ =	shalt  }
0x49: {  	_ =	shalt  }
0x4a: {  	_ =	shalt  }
0x4b: {  	_ =	shalt  }
0x4c: {  	_ =	shalt  }
0x4d: {  	_ =	shalt  }
0x4e: {  	_ =	shalt  }
0x4f: {  	_ =	shalt  }
0x50: {  	_ =	shalt  }
0x51: {  	_ =	shalt  }
0x52: {  	_ =	shalt  }
0x53: {  	_ =	shalt  }
0x54: {  	_ =	shalt  }
0x55: {  	_ =	shalt  }
0x56: {  	_ =	shalt  }
0x57: {  	_ =	shalt  }
0x58: {  	_ =	shalt  }
0x59: {  	_ =	shalt  }
0x5a: {  	_ =	shalt  }
0x5b: {  	_ =	shalt  }
0x5c: {  	_ =	shalt  }
0x5d: {  	_ =	shalt  }
0x5e: {  	_ =	shalt  }
0x5f: {  	_ =	shalt  }
0x60: {  	_ =	shalt  }
0x61: {  	_ =	shalt  }
0x62: {  	_ =	shalt  }
0x63: {  	_ =	shalt  }
0x64: {  	_ =	shalt  }
0x65: {  	_ =	shalt  }
0x66: {  	_ =	shalt  }
0x67: {  	_ =	shalt  }
0x68: {  	_ =	shalt  }
0x69: {  	_ =	shalt  }
0x6a: {  	_ =	shalt  }
0x6b: {  	_ =	shalt  }
0x6c: {  	_ =	shalt  }
0x6d: {  	_ =	shalt  }
0x6e: {  	_ =	shalt  }
0x6f: {  	_ =	shalt  }
0x70: {  	_ =	shalt  }
0x71: {  	_ =	shalt  }
0x72: {  	_ =	shalt  }
0x73: {  	_ =	shalt  }
0x74: {  	_ =	shalt  }
0x75: {  	_ =	shalt  }
0x76: {  	_ =	shalt  }
0x77: {  	_ =	shalt  }
0x78: {  	_ =	shalt  }
0x79: {  	_ =	shalt  }
0x7a: {  	_ =	shalt  }
0x7b: {  	_ =	shalt  }
0x7c: {  	_ =	shalt  }
0x7d: {  	_ =	shalt  }
0x7e: {  	_ =	shalt  }
0x7f: {  	_ =	shalt  }
0x80: {  	_ =	shalt  }
0x81: {  	_ =	shalt  }
0x82: {  	_ =	shalt  }
0x83: {  	_ =	shalt  }
0x84: {  	_ =	shalt  }
0x85: {  	_ =	shalt  }
0x86: {  	_ =	shalt  }
0x87: {  	_ =	shalt  }
.Lfunc_end0:
.L_simem_size_0:
called_computation.1_lowered:
.L_overlay_start_0:
0x88: {  	s2 =	sld [smem:$0x3FD9]  }
0x89: {  	s3 =	sld [smem:$0x3FFE];
	_ =	sdelay $0x1  }
0x8a: {  	s1 =	srdreg.scid  }
0x8b: {  	s0 =	sand.u32 $0x1, s1  }
0x8c: {  	s17 =	sshll.u32 s0, $0xA;
	s2 =	sadd.s32 s3, s2  }
0x8d: {  	s2 =	sadd.s32 s2, s17  }
0x8e: {  	[smem:$0x3FC6] =	sst s2  }
0x8f: {  	_ = 	snop  }
0x90: {  	s2 =	sld [smem:$0x3FD0];
	(tm) =	ssettm $0x1  }
0x91: {  	s18 =	sld [smem:$0x3FFB];
	_ =	sdelay $0x3  }
0x92: {  	_ =	strace s18  }
0x93: {  	s3 =	sld [smem:$0x3FFC];
	_ =	sdelay $0x3  }
0x94: {  	_ =	strace s3  }
0x95: {  	s3 =	sld [smem:$0x3FFD];
	_ =	sdelay $0x3  }
0x96: {  	_ =	strace s3  }
0x97: {  	_ =	strace $0x8FFFFFFF  }
0x98: {  	s19 =	sld [smem:$0x3FDB];
	_ =	sdelay $0x1  }
0x99: {  	s4 =	simm.s32 $_scs_section_size  }
0x9a: {  	s5 =	simm.s32 $_size__tile_overlayer_lowered;
	s6 =	simm.s32 $_tile_overlayer_lowered  }
0x9b: {  	s22 =	simm.s32 $0x1BFF;
	s21 =	sshll.u32 s6, $0x1;
	s3 =	sadd.s32 s4, s19  }
0x9c: {  	s7 =	simm.s32 $0x0;
	s20 =	sshll.u32 s5, $0x1;
	s5 =	sadd.s32 s21, s3  }
0x9d: {  	[timem:s7], [sflag:s22] =	dma.local [hbm:s5], s20  }
0x9e: {  	_ =	swait.ge [sflag:s22], s20  }
0x9f: {  	s4 =	ssub.s32 $0x0, s20;
	[sflag:s22] =	ssyncset.done $0x0  }
0xa0: {  	[sflag:s22] =	ssyncadd.s32 s4;
	_ =	sdelay $0x1  }
0xa1: {  	s23 =	simm.s32 $0x1B8B  }
0xa2: {  	_ =	swait.ge [sflag:s23], $0x1  }
0xa3: {  	[sflag:s23] =	ssyncset.done $0x0  }
0xa4: {  	s25 =	simm.s32 $0x1B8E;
	s24 =	sld [smem:$0x3FFE];
	[sflag:s23] =	ssyncadd.s32 $0xFFFFFFFF  }
0xa5: {  	s26 =	simm.s32 $execute0_lowered;
	[smem:$0x3FD2] =	sst s25  }
0xa6: {  	s5 =	sshll.u32 s26, $0x1;
	_ =	strace $0x80000049;
	[dreg:$0x1] =	wrdreg $0xFFFFFFFF  }
0xa7: {  	s28 =	simm.s32 $_size_execute0_lowered;
	s3 =	sadd.s32 s3, s5;
	[dreg:$0x0] =	wrdreg $0x0  }
0xa8: {  	s5 =	sshll.u32 s28, $0x1;
	[dreg:$0x2] =	wrdreg s3  }
0xa9: {  	[dreg:$0x3] =	wrdreg s5  }
0xaa: {  	[dreg:$0x4] =	wrdreg $0xC0  }
0xab: {  	_ =	task [dreg:s7], $0x5FFFF  }
0xac: {  	[dreg:$0x1] =	wrdreg $0xFFFFFFFF  }
0xad: {  	[dreg:$0x0] =	wrdreg $0x60  }
0xae: {  	[dreg:$0x2] =	wrdreg s2  }
0xaf: {  	[dreg:$0x3] =	wrdreg s24  }
0xb0: {  	[dreg:$0x4] =	wrdreg $0x9  }
0xb1: {  	_ =	task.clear_ibuf [dreg:s7], $0x5FFFF;
	_ =	strace $0x90000049  }
0xb2: {  	s29 =	simm.s32 $0x9;
	_ =	strace $0x8000004B  }
0xb3: {  	_ =	swait.ge [sflag:s29], $0x1  }
0xb4: {  	[sflag:s29] =	ssyncadd.s32 $0xFFFFFFFF  }
0xb5: {  	_ =	strace $0x9000004B  }
0xb6: {  	_ =	sfence  }
0xb7: {  	s30 =	sld [smem:$0x0];
	_ =	sdelay $0x2  }
0xb8: {  	s31 =	sshll.u32 s1, $0xD;
	s1 =	sshrl.u32 s1, $0x2  }
0xb9: {  	s3 =	sand.u32 $0x4000, s31;
	s1 =	sadd.s32 s1, s30  }
0xba: {  	s0 =	sor.u32 s3, s0;
	s1 =	sshll.u32 s1, $0x11  }
0xbb: {  	s0 =	sor.u32 s1, s0  }
0xbc: {  	s0 =	sadd.s32 $0x8F2B, s0  }
0xbd: {  	[sflag:s0] =	ssyncadd.remote.s32 $0x1  }
0xbe: {  	_ =	sfence.sel $0xFFFF  }
0xbf: {  	[dreg:$0x0] =	wrdreg $0xFFFFFFFF;
	(pc) =	sbr.abs _section_cstart, $3  }
0xc0: {  	[dreg:$0x1] =	wrdreg $0xFFFFFFFF  }
0xc1: {  	_ =	task.clear_ibuf [dreg:s7], $0x2FFFF;
	_ =	strace $0x9FFFFFFF  }
0xc2: {  	(tm) =	ssettm $0x7FFFFFFF  }
0xc3: {  	_ =	shalt  }
tec
execute0_lowered:
.L_overlay_start_1:
0x0: {  	(tag) =	ssettag $0x1  }
0x1: {  	s1 =	srdreg.scid  }
0x2: {  	s0 =	stileid.u32;
	s6 =	rddreg [dreg:$0x0]  }
0x3: {  	s12 =	rddreg [dreg:$0x1];
	s11 =	sand.u32 $0x1, s1;
	s30 =	sshll.u32 s0, $0x1  }
0x4: {  	s2 =	simm.s32 $0x0;
	s1 =	rddreg [dreg:$0x2];
	s8 =	sor.u32 s11, s30  }
0x5: {  	s5 =	simm.s32 $0x1;
	[smem:$0x7FF] =	sst s2;
	s3 =	sshll.u32 s8, $0x10  }
0x6: {  	s4 =	sshll.u32 s0, $0x6;
	_ =	strace $0x8000004A;
	s31 =	sadd.s32 s3, s12  }
0x7: {  	s4 =	sor.u32 $0x1C01, s4;
	s3 =	sadd.s32 s6, s3;
	s2 =	sadd.s32 $0xC00, s31  }
0x8: {  	[hbm:s2], [sflag:s4] =	dma.local [hbm:s3], $0x10000  }
0x9: {  	_ =	swait.ge [sflag:s5], $0x10000  }
0xa: {  	s7 =	sadd.s32 $0x100100, s6;
	p0 =	sne.s32 s8, $0x10;
	[sflag:s5] =	ssyncset.done $0x0  }
0xb: {  	s8 =	simm.s32 @!p0 $0x0;
	s6 =	simm.s32 @!p0 $0x1;
	[sflag:s5] =	ssyncadd.s32 $0xFFFF0000  }
0xc: {  	[tilespmem:s8], [sflag:$0x1] =	stream.linear.gather @!p0 [hbm4b:s7+s8], $0x10, $0x38;
	[tilespmem:$0x100] =	vst v63  }
0xd: {  	_ =	swait.ge @!p0 [sflag:s6], $0x10  }
0xe: {  	[sflag:s6] =	ssyncset.done @!p0 $0x0  }
0xf: {  	s9 =	sadd.s32 $0xA00, s12;
	s10 =	simm.s32 @!p0 $0x80;
	[sflag:s6] =	ssyncadd.s32 @!p0 $0xFFFFFFF0  }
0x10: {  	[tilespmem:s10], [sflag:$0x1] =	stream.linear.gather @!p0 [hbm4b:s9+s8], $0x80, $0x38;
	[tilespmem:$0x100] =	vst v63  }
0x11: {  	_ =	swait.ge @!p0 [sflag:s6], $0x80  }
0x12: {  	[sflag:s6] =	ssyncset.done @!p0 $0x0  }
0x13: {  	s11 =	ssub.s32 $0x2, s11;
	[sflag:s6] =	ssyncadd.s32 @!p0 $0xFFFFFF80  }
0x14: {  	s13 =	sshrl.u32 s11, $0x1;
	v0 =	vld @!p0 [tilespmem:$0x80]  }
0x15: {  	s11 =	ssub.s32 s11, s13;
	v1 =	vld @!p0 [tilespmem:$0x0]  }
0x16: {  	s13 =	smax.u32 s11, $0x1  }
0x17: {  	s11 =	sadd.s32 $0x100D00, s12;
	s12 =	sadd.s32 $0xFFFFFFFF, s13  }
0x18: {  	p1 =	sne.s32 s12, $0x0  }
.Ltmp0:
0x19: {  	vm0 =	vmmov @!p0 $0x1;
	(pc) =	sbr.rel @!p1 .LBB2_2-.Ltmp0, $4  }
0x1a: {  	v0 =	vsel @!p0 vm0, v0, v1  }
0x1b: {  	[tilespmem:$0x0] =	vst @!p0 v0  }
0x1c: {  	[hbm4b:s11+s8] =	stream.linear.scatter @!p0 [tilespmem:s8], [sflag:$0x1], $0x10, $0x38;
	[tilespmem:$0x100] =	vst v63  }
0x1d: {  	_ =	swait.ge @!p0 [sflag:s6], $0x10  }
.LBB2_1:
0x1e: {  	s12 =	sadd.s32 $0xFFFFFFFF, s12;
	[sflag:s6] =	ssyncset.done @!p0 $0x0  }
0x1f: {  	p1 =	sne.s32 s12, $0x0;
	[sflag:s6] =	ssyncadd.s32 @!p0 $0xFFFFFFF0  }
0x20: {  	[hbm:s2], [sflag:s4] =	dma.local [hbm:s3], $0x10000  }
0x21: {  	_ =	swait.ge [sflag:s5], $0x10000  }
0x22: {  	[sflag:s5] =	ssyncset.done $0x0  }
0x23: {  	[sflag:s5] =	ssyncadd.s32 $0xFFFF0000  }
0x24: {  	[tilespmem:s8], [sflag:$0x1] =	stream.linear.gather @!p0 [hbm4b:s7+s8], $0x10, $0x38;
	[tilespmem:$0x100] =	vst v63  }
0x25: {  	_ =	swait.ge @!p0 [sflag:s6], $0x10  }
0x26: {  	[sflag:s6] =	ssyncset.done @!p0 $0x0  }
0x27: {  	[sflag:s6] =	ssyncadd.s32 @!p0 $0xFFFFFFF0  }
0x28: {  	[tilespmem:s10], [sflag:$0x1] =	stream.linear.gather @!p0 [hbm4b:s9+s8], $0x80, $0x38;
	[tilespmem:$0x100] =	vst v63  }
0x29: {  	_ =	swait.ge @!p0 [sflag:s6], $0x80  }
0x2a: {  	[sflag:s6] =	ssyncset.done @!p0 $0x0  }
0x2b: {  	[sflag:s6] =	ssyncadd.s32 @!p0 $0xFFFFFF80  }
0x2c: {  	v0 =	vld @!p0 [tilespmem:$0x80]  }
0x2d: {  	v1 =	vld @!p0 [tilespmem:$0x0];
	_ =	sdelay $0x3  }
.Ltmp1:
0x2e: {  	(pc) =	sbr.rel @p1 .LBB2_1-.Ltmp1, $4  }
0x2f: {  	v0 =	vsel @!p0 vm0, v0, v1  }
0x30: {  	[tilespmem:$0x0] =	vst @!p0 v0  }
0x31: {  	[hbm4b:s11+s8] =	stream.linear.scatter @!p0 [tilespmem:s8], [sflag:$0x1], $0x10, $0x38;
	[tilespmem:$0x100] =	vst v63  }
0x32: {  	_ =	swait.ge @!p0 [sflag:s6], $0x10  }
.LBB2_2:
0x33: {  	[sflag:s6] =	ssyncset.done @!p0 $0x0  }
0x34: {  	[sflag:s6] =	ssyncadd.s32 @!p0 $0xFFFFFFF0  }
0x35: {  	_ =	sfence.sel $0x180000  }
0x36: {  	[bflag:$0x0] =	sbarrier.arrive $0xFFFF  }
0x37: {  	p0 =	sne.s32 s0, $0x0;
	_ =	strace $0x9000004A  }
0x38: {  	s0 =	sadd.s32 @!p0 $0x100000, s1;
	[bflag:$0x2] =	sbarrier.arrive $0xFFFF  }
0x39: {  	[sflag:s0] =	ssyncadd.tile.s32 @!p0 $0x1;
	_ =	shalt  }
.Lfunc_end2:
_tile_overlayer_lowered:
.L_overlay_start_2:
0x3a: {  	(tag) =	ssettag $0x2  }
0x3b: {  	s0 =	rddreg [dreg:$0x0];
	s2 =	stileid.u32  }
0x3c: {  	s1 =	rddreg [dreg:$0x1];
	p0 =	sne.s32 s2, $0x0  }
0x3d: {  	s3 =	rddreg [dreg:$0x2];
	[bflag:$0x3] =	sbarrier.arrive $0xFFFF;
	s2 =	simm.s32 @!p0 $0x1C01  }
0x3e: {  	[timem:s3], [sflag:s2] =	dma.local @!p0 [hbm:s0], s1  }
0x3f: {  	s0 =	simm.s32 @!p0 $0x1  }
0x40: {  	_ =	swait.ge @!p0 [sflag:s0], s1  }
0x41: {  	s1 =	ssub.s32 @!p0 $0x0, s1;
	[sflag:s0] =	ssyncset.done @!p0 $0x0  }
0x42: {  	[sflag:s0] =	ssyncadd.s32 @!p0 s1  }
0x43: {  	[bflag:$0x3] =	sbarrier.arrive $0xFFFF  }
0x44: {  	_ =	shalt  }

// kernel: sparse-core-data-format-call.cloned.1.call-start
scs
called_computation_lowered:
.L_overlay_start_0:
0x0: {  	s2 =	sld [smem:$0x3FD9]  }
0x1: {  	s3 =	sld [smem:$0x3FFE];
	_ =	sdelay $0x1  }
0x2: {  	s1 =	srdreg.scid  }
0x3: {  	s0 =	sand.u32 $0x1, s1  }
0x4: {  	s19 =	sshll.u32 s0, $0xA;
	s2 =	sadd.s32 s3, s2  }
0x5: {  	s2 =	sadd.s32 s2, s19  }
0x6: {  	[smem:$0x3FC6] =	sst s2  }
0x7: {  	_ = 	snop  }
0x8: {  	s2 =	sld [smem:$0x3FC9]  }
0x9: {  	s20 =	sld [smem:$0x3FD0];
	(tm) =	ssettm $0x1  }
0xa: {  	s4 =	sld [smem:$0x3FFB];
	_ =	sdelay $0x3  }
0xb: {  	_ =	strace s4  }
0xc: {  	s4 =	sld [smem:$0x3FFC];
	_ =	sdelay $0x3  }
0xd: {  	_ =	strace s4  }
0xe: {  	s4 =	sld [smem:$0x3FFD];
	_ =	sdelay $0x3  }
0xf: {  	_ =	strace s4  }
0x10: {  	_ =	strace $0x8FFFFFFF  }
0x11: {  	s21 =	sld [smem:$0x3FDB];
	_ =	sdelay $0x1  }
0x12: {  	s5 =	simm.s32 $_scs_section_size  }
0x13: {  	s6 =	simm.s32 $_size__tile_overlayer_lowered;
	s7 =	simm.s32 $_tile_overlayer_lowered  }
0x14: {  	s24 =	simm.s32 $0x1BFF;
	s23 =	sshll.u32 s7, $0x1;
	s4 =	sadd.s32 s5, s21  }
0x15: {  	s8 =	simm.s32 $0x0;
	s22 =	sshll.u32 s6, $0x1;
	s6 =	sadd.s32 s23, s4  }
0x16: {  	[timem:s8], [sflag:s24] =	dma.local [hbm:s6], s22  }
0x17: {  	_ =	swait.ge [sflag:s24], s22  }
0x18: {  	s5 =	ssub.s32 $0x0, s22;
	[sflag:s24] =	ssyncset.done $0x0  }
0x19: {  	[sflag:s24] =	ssyncadd.s32 s5;
	_ =	sdelay $0x1  }
0x1a: {  	s25 =	simm.s32 $0x1B8B  }
0x1b: {  	_ =	swait.ge [sflag:s25], $0x1  }
0x1c: {  	[sflag:s25] =	ssyncset.done $0x0  }
0x1d: {  	s26 =	simm.s32 $0x1B8E;
	[sflag:s25] =	ssyncadd.s32 $0xFFFFFFFF  }
0x1e: {  	s27 =	simm.s32 $execute0_lowered;
	[smem:$0x3FD2] =	sst s26  }
0x1f: {  	s5 =	sshll.u32 s27, $0x1;
	_ =	strace $0x80000046;
	[dreg:$0x1] =	wrdreg $0xFFFFFFFF  }
0x20: {  	s28 =	simm.s32 $_size_execute0_lowered;
	s4 =	sadd.s32 s4, s5;
	[dreg:$0x0] =	wrdreg $0x0  }
0x21: {  	s5 =	sshll.u32 s28, $0x1;
	[dreg:$0x2] =	wrdreg s4  }
0x22: {  	[dreg:$0x3] =	wrdreg s5  }
0x23: {  	[dreg:$0x4] =	wrdreg $0xC0  }
0x24: {  	_ =	task [dreg:s8], $0x5FFFF  }
0x25: {  	[dreg:$0x1] =	wrdreg $0xFFFFFFFF  }
0x26: {  	[dreg:$0x0] =	wrdreg $0x60  }
0x27: {  	[dreg:$0x2] =	wrdreg s2  }
0x28: {  	[dreg:$0x3] =	wrdreg s20  }
0x29: {  	[dreg:$0x4] =	wrdreg $0x9  }
0x2a: {  	_ =	task.clear_ibuf [dreg:s8], $0x5FFFF;
	_ =	strace $0x90000046  }
0x2b: {  	s29 =	simm.s32 $0x9;
	_ =	strace $0x80000048  }
0x2c: {  	_ =	swait.ge [sflag:s29], $0x1  }
0x2d: {  	[sflag:s29] =	ssyncadd.s32 $0xFFFFFFFF  }
0x2e: {  	_ =	strace $0x90000048  }
0x2f: {  	_ =	sfence  }
0x30: {  	s30 =	sld [smem:$0x0];
	_ =	sdelay $0x2  }
0x31: {  	s31 =	sshll.u32 s1, $0xD;
	s1 =	sshrl.u32 s1, $0x2  }
0x32: {  	s3 =	sand.u32 $0x4000, s31;
	s1 =	sadd.s32 s1, s30  }
0x33: {  	s0 =	sor.u32 s3, s0;
	s1 =	sshll.u32 s1, $0x11  }
0x34: {  	s0 =	sor.u32 s1, s0  }
0x35: {  	s0 =	sadd.s32 $0x8F2B, s0  }
0x36: {  	[sflag:s0] =	ssyncadd.remote.s32 $0x1  }
0x37: {  	_ =	sfence.sel $0xFFFF  }
0x38: {  	[dreg:$0x0] =	wrdreg $0xFFFFFFFF;
	(pc) =	sbr.abs _section_cstart, $3  }
0x39: {  	[dreg:$0x1] =	wrdreg $0xFFFFFFFF  }
0x3a: {  	_ =	task.clear_ibuf [dreg:s8], $0x2FFFF;
	_ =	strace $0x9FFFFFFF  }
0x3b: {  	(tm) =	ssettm $0x7FFFFFFF  }
tec
execute0_lowered:
.L_overlay_start_1:
0x0: {  	(tag) =	ssettag $0x1  }
0x1: {  	s2 =	rddreg [dreg:$0x0]  }
0x2: {  	s3 =	rddreg [dreg:$0x1]  }
0x3: {  	s0 =	rddreg [dreg:$0x2];
	_ =	strace $0x80000047  }
0x4: {  	s4 =	srdreg.scid;
	s1 =	stileid.u32;
	s6 =	simm.s32 $0x2  }
.Ltmp0:
0x5: {  	s11 =	simm.s32 $0x0;
	p0 =	por $0x0, $0x0;
	(pc) =	sbr.rel .LBB1_1-.Ltmp0, $4  }
0x6: {  	s7 =	simm.s32 $0x1000;
	s12 =	simm.s32 $0x0;
	s5 =	sshll.u32 s4, $0x4  }
0x7: {  	s9 =	simm.s32 $0x0;
	s4 =	simm.s32 $0x1;
	s5 =	sand.u32 $0x10, s5  }
0x8: {  	s8 =	simm.s32 $0x0;
	[sflag:s4] =	ssyncpa.u1 $0x0;
	s5 =	sor.u32 s1, s5  }
0x9: {  	[sflag:s6] =	ssyncpa.u1 $0x0;
	s6 =	simm.s32 $0x800;
	s10 =	smov.u32 s5  }
.LBB1_7:
0xa: {  	s13 =	sadd.s32 $0x10, s9  }
0xb: {  	s11 =	sadd.s32 $0x20, s10;
	s15 =	smov.u32 s10;
	p2 =	sgt.s32 s13, $0x1F  }
0xc: {  	p1 =	slt.u32 s8, $0x2;
	s15 =	smov.u32 @p2 s11  }
0xd: {  	s8 =	sadd.s32 $0x1, s8;
	s13 =	simm.s32 @p2 $0x0;
	p2 =	sgt.s32 s15, $0x1FF  }
0xe: {  	s15 =	smov.u32 @p2 s5;
	p2 =	sne.s32 s8, $0x22  }
.Ltmp1:
0xf: {  	_ = 	snop;
	(pc) =	sbr.rel @!p2 .LBB1_8-.Ltmp1, $4  }
0x10: {  	s14 =	simm.s32 @!p1 $0x2  }
0x11: {  	s12 =	smov.u32 s10;
	_ =	swait.ge @!p1 [sflag:s14], $0x4000  }
0x12: {  	p0 =	por !p0, !p0;
	s11 =	smov.u32 s9;
	[sflag:s14] =	ssyncset.done @!p1 $0x0  }
0x13: {  	s9 =	smov.u32 s13;
	[sflag:s14] =	ssyncadd.s32 @!p1 $0xFFFFC000;
	s10 =	smov.u32 s15  }
.LBB1_1:
0x14: {  	p1 =	sgt.u32 s8, $0x1F  }
0x15: {  	s13 =	sxor.u32 @!p1 $0xFFFFFFFF, s8;
	s14 =	sshll.u32 @!p1 s10, $0xC  }
0x16: {  	s15 =	sshll.u32 @!p1 s9, $0x7;
	s13 =	sshll.u32 @!p1 s13, $0xE;
	s14 =	sadd.s32 @!p1 s2, s14  }
0x17: {  	s13 =	sand.u32 @!p1 $0x4000, s13;
	s14 =	sadd.s32 @!p1 s15, s14;
	s15 =	simm.s32 @!p1 $0x0  }
0x18: {  	[tilespmem:s13], [sflag:$0x1] =	stream.linear.gather @!p1 [hbm4b:s14+s15], $0x4000, $0x38;
	[tilespmem:$0x10000] =	vst v63  }
0x19: {  	p1 =	seq.s32 s8, $0x0  }
0x1a: {  	p2 =	seq.s32 @!p1 s8, $0x21  }
0x1b: {  	p1 =	por p1, p2  }
.Ltmp2:
0x1c: {  	_ = 	snop;
	(pc) =	sbr.rel @p1 .LBB1_7-.Ltmp2, $1  }
0x1d: {  	_ =	sdelay $0x3  }
0x1e: {  	s13 =	simm.s32 $0x1;
	_ =	swait.ge [sflag:s4], $0x4000;
	s16 =	sshll.u32 s8, $0xE  }
0x1f: {  	s13 =	simm.s32 @!p0 $0x0;
	[sflag:s4] =	ssyncset.done $0x0;
	s31 =	sand.u32 $0x4000, s16  }
0x20: {  	s16 =	simm.s32 $0x0;
	s14 =	sshll.u32 s13, $0xE;
	[sflag:s4] =	ssyncadd.s32 $0xFFFFC000  }
0x21: {  	s13 =	sor.u32 $0x8040, s14;
	s15 =	sor.u32 $0x40, s14;
	s14 =	sor.u32 $0x8000, s31  }
.LBB1_3:
0x22: {  	v0 =	vmov s15;
	_ =	sdelay $0x3  }
0x23: {  	s18 =	simm.s32 $0x0  }
0x24: {  	v6 =	vld.idx.msk [tilespmem:v0+s18+$0x30 ss:$0x1], $0xffff  }
0x25: {  	v7 =	vld.idx.msk [tilespmem:v0+s18+$0xFFFFFFC0 ss:$0x1], $0xffff  }
0x26: {  	v5 =	vld.idx.msk [tilespmem:v0+s18+$0xFFFFFFD0 ss:$0x1], $0xffff  }
0x27: {  	v4 =	vld.idx.msk [tilespmem:v0+s18+$0xFFFFFFE0 ss:$0x1], $0xffff  }
0x28: {  	v3 =	vld.idx.msk [tilespmem:v0+s18+$0xFFFFFFF0 ss:$0x1], $0xffff  }
0x29: {  	v1 =	vld.idx.msk [tilespmem:v0+s18+$0x0 ss:$0x1], $0xffff  }
0x2a: {  	v2 =	vld.idx.msk [tilespmem:v0+s18+$0x10 ss:$0x1], $0xffff;
	[tilespmem:s13+$0x30] =	vst v6  }
0x2b: {  	s17 =	simm.s32 $0x80;
	s19 =	simm.s32 $0x400;
	[tilespmem:s13+$0xFFFFFFC0] =	vst v7;
	v6 =	vld.idx.msk [tilespmem:v0+s18+$0x20 ss:$0x1], $0xffff;
	s18 =	smov.u32 s13  }
.LBB1_4:
0x2c: {  	p1 =	sne.s32 s19, $0xE00;
	v7 =	vld.idx.msk [tilespmem:v0+s17+$0x30 ss:$0x1], $0xffff;
	[tilespmem:s18+$0xFFFFFFD0] =	vst v5  }
0x2d: {  	v8 =	vld.idx.msk [tilespmem:v0+s17+$0xFFFFFFC0 ss:$0x1], $0xffff;
	[tilespmem:s18+$0xFFFFFFE0] =	vst v4  }
0x2e: {  	v5 =	vld.idx.msk [tilespmem:v0+s17+$0xFFFFFFD0 ss:$0x1], $0xffff;
	[tilespmem:s18+$0xFFFFFFF0] =	vst v3  }
.Ltmp3:
0x2f: {  	v4 =	vld.idx.msk [tilespmem:v0+s17+$0xFFFFFFE0 ss:$0x1], $0xffff;
	[tilespmem:s18+$0x0] =	vst v1;
	(pc) =	sbr.rel @p1 .LBB1_4-.Ltmp3, $4  }
0x30: {  	v3 =	vld.idx.msk [tilespmem:v0+s17+$0xFFFFFFF0 ss:$0x1], $0xffff;
	[tilespmem:s18+$0x10] =	vst v2  }
0x31: {  	v1 =	vld.idx.msk [tilespmem:v0+s17+$0x0 ss:$0x1], $0xffff;
	[tilespmem:s18+$0x20] =	vst v6;
	s18 =	sadd.s32 $0x800, s18  }
0x32: {  	v2 =	vld.idx.msk [tilespmem:v0+s17+$0x10 ss:$0x1], $0xffff;
	[tilespmem:s18+$0x30] =	vst v7  }
0x33: {  	[tilespmem:s18+$0xFFFFFFC0] =	vst v8;
	v6 =	vld.idx.msk [tilespmem:v0+s17+$0x20 ss:$0x1], $0xffff;
	s17 =	sshra.s32 s19, $0x2;
	s19 =	sadd.s32 $0x200, s19  }
0x34: {  	_ =	sdelay $0x2  }
0x35: {  	[tilespmem:s18+$0xFFFFFFD0] =	vst v5  }
0x36: {  	v56 =	vld.idx.msk [tilespmem:v0+s17+$0x30 ss:$0x1], $0xffff;
	[tilespmem:s18+$0xFFFFFFE0] =	vst v4  }
0x37: {  	v57 =	vld.idx.msk [tilespmem:v0+s17+$0xFFFFFFC0 ss:$0x1], $0xffff;
	[tilespmem:s18+$0xFFFFFFF0] =	vst v3  }
0x38: {  	v58 =	vld.idx.msk [tilespmem:v0+s17+$0xFFFFFFD0 ss:$0x1], $0xffff;
	[tilespmem:s18+$0x0] =	vst v1  }
0x39: {  	v59 =	vld.idx.msk [tilespmem:v0+s17+$0xFFFFFFE0 ss:$0x1], $0xffff;
	[tilespmem:s18+$0x10] =	vst v2  }
0x3a: {  	v60 =	vld.idx.msk [tilespmem:v0+s17+$0xFFFFFFF0 ss:$0x1], $0xffff;
	s31 =	sadd.s32 $0x800, s18;
	[tilespmem:s18+$0x20] =	vst v6  }
0x3b: {  	v61 =	vld.idx.msk [tilespmem:v0+s17+$0x0 ss:$0x1], $0xffff;
	[tilespmem:s31+$0x30] =	vst v56  }
0x3c: {  	v62 =	vld.idx.msk [tilespmem:v0+s17+$0x10 ss:$0x1], $0xffff;
	s16 =	sadd.s32 $0x1, s16;
	[tilespmem:s31+$0xFFFFFFC0] =	vst v57  }
0x3d: {  	v63 =	vld.idx.msk [tilespmem:v0+s17+$0x20 ss:$0x1], $0xffff;
	p1 =	sne.s32 s16, $0x10;
	[tilespmem:s31+$0xFFFFFFD0] =	vst v58  }
.Ltmp4:
0x3e: {  	[tilespmem:s31+$0xFFFFFFE0] =	vst v59;
	(pc) =	sbr.rel @p1 .LBB1_3-.Ltmp4, $4  }
0x3f: {  	[tilespmem:s31+$0xFFFFFFF0] =	vst v60  }
0x40: {  	[tilespmem:s31+$0x0] =	vst v61  }
0x41: {  	[tilespmem:s31+$0x10] =	vst v62  }
0x42: {  	s13 =	sadd.s32 $0x80, s13;
	s15 =	sadd.s32 $0x400, s15;
	[tilespmem:s31+$0x20] =	vst v63  }
.Ltmp5:
0x43: {  	(pc) =	sbr.rel .LBB1_7-.Ltmp5, $4  }
0x44: {  	s12 =	sshll.u32 s12, $0xC;
	s11 =	sshll.u32 s11, $0x4  }
0x45: {  	s11 =	sand.u32 $0x1F0, s11;
	s12 =	sadd.s32 s3, s12  }
0x46: {  	s11 =	sadd.s32 s11, s12  }
0x47: {  	[hbm4b:s11+s6] =	stream.strided.scatter [tilespmem:s14], [sflag:$0x2], $0x4000, s7, s6, $0x38;
	[tilespmem:$0x10000] =	vst v63  }
.LBB1_8:
0x48: {  	_ =	sfence.sel $0x180000  }
0x49: {  	s2 =	simm.s32 $0x1;
	[bflag:$0x0] =	sbarrier.arrive $0xFFFF  }
0x4a: {  	s31 =	simm.s32 $0x2;
	[sflag:s2] =	ssyncpa.u1 $0x1  }
0x4b: {  	[sflag:s31] =	ssyncpa.u1 $0x1  }
0x4c: {  	p0 =	sne.s32 s1, $0x0;
	_ =	strace $0x90000047  }
0x4d: {  	s0 =	sadd.s32 @!p0 $0x100000, s0;
	[bflag:$0x2] =	sbarrier.arrive $0xFFFF  }
0x4e: {  	[sflag:s0] =	ssyncadd.tile.s32 @!p0 $0x1;
	_ =	shalt  }
.Lfunc_end1:
_tile_overlayer_lowered:
.L_overlay_start_2:
0x4f: {  	(tag) =	ssettag $0x2  }
0x50: {  	s0 =	rddreg [dreg:$0x0];
	s2 =	stileid.u32  }
0x51: {  	s1 =	rddreg [dreg:$0x1];
	p0 =	sne.s32 s2, $0x0  }
0x52: {  	s3 =	rddreg [dreg:$0x2];
	[bflag:$0x3] =	sbarrier.arrive $0xFFFF;
	s2 =	simm.s32 @!p0 $0x1C01  }
0x53: {  	[timem:s3], [sflag:s2] =	dma.local @!p0 [hbm:s0], s1  }
0x54: {  	s0 =	simm.s32 @!p0 $0x1  }
0x55: {  	_ =	swait.ge @!p0 [sflag:s0], s1  }
0x56: {  	s1 =	ssub.s32 @!p0 $0x0, s1;
	[sflag:s0] =	ssyncset.done @!p0 $0x0  }
0x57: {  	[sflag:s0] =	ssyncadd.s32 @!p0 s1  }
0x58: {  	[bflag:$0x3] =	sbarrier.arrive $0xFFFF  }
0x59: {  	_ =	shalt  }

</sc_bundles>
